<compile_context>
chip_gen: v7x
topology: tpu7x:2x2x1
jax: 0.10.2.dev20260603
libtpu: 0.0.44.dev20260713+nightly
codegen_flags: <defaults>
</compile_context>

<pallas_src>
import functools

import jax
import jax.numpy as jnp
from jax import lax
from jax.experimental import pallas as pl
from jax.experimental.pallas import tpu as pltpu
from jax.experimental.pallas import tpu_sc as plsc


def _make_node_gather(B, N, F):
    info = plsc.get_sparse_core_info()
    nc, ns, L = info.num_cores, info.num_subcores, info.num_lanes
    nw = nc * ns
    assert B % (8 * nw) == 0
    bpw = B // nw
    mesh = plsc.VectorSubcoreMesh(core_axis_name="c", subcore_axis_name="s")

    def body(no2, aid, no_row, aid_v, idx_v, nrows_v, sem):
        wid = lax.axis_index("s") * nc + lax.axis_index("c")
        base = wid * bpw
        pltpu.sync_copy(aid.at[pl.ds(base, bpw)], aid_v)
        for j in range(bpw // L):
            ids = aid_v[pl.ds(j * L, L)]
            r_star = ((base + j * L) + lax.iota(jnp.int32, L)) * N + ids
            idx_v[pl.ds(j * L, L)] = r_star
        pltpu.async_copy(no2.at[idx_v], nrows_v, sem).wait()
        pltpu.sync_copy(nrows_v, no_row.at[pl.ds(base, bpw)])

    return pl.kernel(
        body,
        out_type=jax.ShapeDtypeStruct((B, F), jnp.float32),
        mesh=mesh,
        scratch_types=[
            pltpu.VMEM((bpw,), jnp.int32),
            pltpu.VMEM((bpw,), jnp.int32),
            pltpu.VMEM((bpw, F), jnp.float32),
            pltpu.SemaphoreType.DMA,
        ],
        compiler_params=pltpu.CompilerParams(
            use_tc_tiling_on_sc=False, needs_layout_passes=False),
        name="sc_node_row_gather",
    )


def _dense_body(N, adj_ref, aid_ref, nrow_ref, obs_ref, nodes_ref, Wi_ref,
                bi_ref, Wm_ref, Wu_ref, W1_ref, b1_ref, W2_ref, b2_ref,
                Wq_ref, bq_ref, q_ref, xbuf, nsem):
    Bb = aid_ref.shape[0]
    HG = Wi_ref.shape[1]
    i = pl.program_id(0)
    rows = xbuf.shape[0]
    pltpu.make_async_copy(
        nodes_ref.at[pl.ds(i * rows, rows)], xbuf, nsem).start()
    pltpu.make_async_copy(
        nodes_ref.at[pl.ds(i * rows, rows)], xbuf, nsem).wait()
    x = xbuf[...]
    Wi = Wi_ref[...]
    bi = bi_ref[...]
    h = jnp.maximum(jnp.dot(x, Wi, preferred_element_type=jnp.float32) + bi, 0.0)
    msg = jnp.maximum(jnp.dot(h, Wm_ref[...], preferred_element_type=jnp.float32), 0.0)
    msg3 = msg.reshape(Bb, N, HG)
    aid_i = aid_ref[...]
    node_iota = lax.broadcasted_iota(jnp.int32, (Bb, N), 1)
    onehot = jnp.where(node_iota == aid_i, 1.0, 0.0)
    w = jnp.sum(adj_ref[...] * onehot[:, :, None], axis=1)
    w = jnp.where(w > 0.0, w, 0.0)
    agg = jnp.sum(msg3 * w[:, :, None], axis=1)
    hrow = jnp.maximum(
        jnp.dot(nrow_ref[...], Wi, preferred_element_type=jnp.float32) + bi, 0.0)
    h2 = jnp.maximum(
        hrow + jnp.dot(agg, Wu_ref[...], preferred_element_type=jnp.float32), 0.0)
    inp = jnp.concatenate([obs_ref[...], h2], axis=1)
    z = jnp.maximum(
        jnp.dot(inp, W1_ref[...], preferred_element_type=jnp.float32) + b1_ref[...], 0.0)
    z = jnp.maximum(
        jnp.dot(z, W2_ref[...], preferred_element_type=jnp.float32) + b2_ref[...], 0.0)
    q_ref[...] = jnp.dot(z, Wq_ref[...], preferred_element_type=jnp.float32) + bq_ref[...]


def kernel(obs, rnn_states, node_obs, adj, agent_id, W_in, b_in, W_msg,
           W_upd, W1, b1, W2, b2, Wq, bq):
    B, N, F = node_obs.shape
    OBS = obs.shape[1]
    HG = W_in.shape[1]
    HID = W1.shape[1]
    ACT = Wq.shape[1]

    aid = agent_id.reshape(B).astype(jnp.int32)
    no2 = node_obs.reshape(B * N, F)
    no_row = _make_node_gather(B, N, F)(no2, aid)
    aid_f = aid.reshape(B, 1)

    Bb = 128
    grid = (B // Bb,)
    full = lambda shape: pl.BlockSpec(shape, lambda i: (0,) * len(shape))
    q = pl.pallas_call(
        functools.partial(_dense_body, N),
        grid=grid,
        in_specs=[
            pl.BlockSpec((Bb, N, N), lambda i: (i, 0, 0)),
            pl.BlockSpec((Bb, 1), lambda i: (i, 0)),
            pl.BlockSpec((Bb, F), lambda i: (i, 0)),
            pl.BlockSpec((Bb, OBS), lambda i: (i, 0)),
            pl.BlockSpec(memory_space=pltpu.MemorySpace.HBM),
            full((F, HG)),
            full((1, HG)),
            full((HG, HG)),
            full((HG, HG)),
            full((OBS + HG, HID)),
            full((1, HID)),
            full((HID, HID)),
            full((1, HID)),
            full((HID, ACT)),
            full((1, ACT)),
        ],
        out_specs=pl.BlockSpec((Bb, ACT), lambda i: (i, 0)),
        out_shape=jax.ShapeDtypeStruct((B, ACT), jnp.float32),
        scratch_shapes=[
            pltpu.VMEM((Bb * N, F), jnp.float32),
            pltpu.SemaphoreType.DMA,
        ],
    )(adj, aid_f, no_row, obs, no2, W_in, b_in.reshape(1, HG), W_msg, W_upd,
      W1, b1.reshape(1, HID), W2, b2.reshape(1, HID), Wq, bq.reshape(1, ACT))

    return (q, rnn_states)

# --- scband reference (transcript-rebuilt; emitter-appended) ---
"""Pipeline reference for scband-gcmagent-q-16930761080875 (READ-ONLY COPY).

The authoritative reference and input builder live on the scoring server;
editing this copy changes nothing except your own understanding.
"""

import jax, jax.numpy as jnp
import numpy as np

B, N, F_NODE, HG, OBS_DIM, HID, ACT = 4096, 100, 16, 16, 32, 64, 5


def setup_inputs(seed: int = 0) -> dict:
    key = jax.random.key(seed)
    ks = jax.random.split(key, 16)
    inp = {
        "obs": jax.random.normal(ks[0], (B, OBS_DIM), jnp.float32),
        "rnn_states": jnp.zeros((B, HID), jnp.float32),
        "node_obs": jax.random.normal(ks[1], (B, N, F_NODE), jnp.float32),
        "adj": jax.random.uniform(ks[2], (B, N, N), jnp.float32),
        "agent_id": jax.random.randint(ks[3], (B, 1), 0, N),
        "W_in": jax.random.normal(ks[4], (F_NODE, HG), jnp.float32) * 0.1,
        "b_in": jnp.zeros((HG,), jnp.float32),
        "W_msg": jax.random.normal(ks[5], (HG, HG), jnp.float32) * 0.1,
        "W_upd": jax.random.normal(ks[6], (HG, HG), jnp.float32) * 0.1,
        "W1": jax.random.normal(ks[7], (OBS_DIM + HG, HID), jnp.float32) * 0.1,
        "b1": jnp.zeros((HID,), jnp.float32),
        "W2": jax.random.normal(ks[8], (HID, HID), jnp.float32) * 0.1,
        "b2": jnp.zeros((HID,), jnp.float32),
        "Wq": jax.random.normal(ks[9], (HID, ACT), jnp.float32) * 0.01,
        "bq": jnp.zeros((ACT,), jnp.float32),
    }
    return inp


def reference(obs, rnn_states, node_obs, adj, agent_id, W_in, b_in, W_msg, W_upd, W1, b1, W2, b2, Wq, bq):
    # GCMGNN: one round of dense message passing over adjacency-weighted edges
    h = jax.nn.relu(node_obs @ W_in + b_in)            # [B, N, HG]
    msg = jax.nn.relu(h @ W_msg)                       # [B, N, HG]
    mask = (adj > 0).astype(adj.dtype)
    w = adj * mask                                     # edge weights
    agg = jnp.einsum('bij,bjh->bih', w, msg)           # neighbor aggregation
    h2 = jax.nn.relu(h + agg @ W_upd)                  # [B, N, HG]
    # actor_graph_aggr == 'node': gather the ego-agent node embedding
    idx = agent_id[:, 0].astype(jnp.int32)
    gnn_out = h2[jnp.arange(h2.shape[0]), idx]         # [B, HG]
    # concat with flat obs, MLP base (use_rnn_layer=False)
    inp = jnp.concatenate([obs, gnn_out], axis=-1)
    x = jax.nn.relu(inp @ W1 + b1)
    x = jax.nn.relu(x @ W2 + b2)
    # ACTLayer Q head
    q_outs = x @ Wq + bq                               # [B, ACT]
    h_final = rnn_states                               # rnn_states[0] after [None] expansion
    return (q_outs, h_final)

if __name__ == "__main__":
    import jax
    _d = setup_inputs()
    print(jax.jit(kernel)(*tuple(_d.values())))

</pallas_src>

<mosaic_0001>
#map = affine_map<(d0, d1) -> (0, 0)>
#map1 = affine_map<(d0, d1) -> (0)>
module attributes {stable_mosaic.version = 14 : i64} {
  func.func @sc_node_row_gather(%arg0: i32, %arg1: i32, %arg2: memref<409600x16xf32, #tpu.memory_space<hbm>>, %arg3: memref<4096xi32, #tpu.memory_space<hbm>>, %arg4: memref<4096x16xf32, #tpu.memory_space<hbm>>, %arg5: memref<128xi32, #tpu.memory_space<vmem>>, %arg6: memref<128xi32, #tpu.memory_space<vmem>>, %arg7: memref<128x16xf32, #tpu.memory_space<vmem>>, %arg8: memref<!tpu.dma_semaphore, #tpu.memory_space<semaphore_mem>>) attributes {dimension_semantics = [#tpu.dimension_semantics<core_parallel>, #tpu.dimension_semantics<subcore_parallel>], iteration_bounds = array<i64: 2, 16>, scalar_prefetch = 0 : i64, scratch_operands = 4 : i64, tpu.core_type = #tpu.core_type<sc_vector_subcore>, window_params = [{transform_indices = #map}, {transform_indices = #map1}, {transform_indices = #map}]} {
    %mul3A = arith.constant 2 : i32
    %mul3A_0 = arith.muli %arg1, %mul3A : i32
    %add3A = arith.addi %mul3A_0, %arg0 : i32
    %mul3A_1 = arith.constant 128 : i32
    %mul3A_2 = arith.muli %add3A, %mul3A_1 : i32
    "tpu.region"() ({
      %run_scoped3A = tpu.sem_alloc : memref<!tpu.dma_semaphore, #tpu.memory_space<semaphore_mem>>
      %dma_start3A_108 = tpu.memref_slice %arg3[%mul3A_2] : memref<4096xi32, #tpu.memory_space<hbm>> -> memref<128xi32, #tpu.memory_space<hbm>>
      %dma_start3A_109 = tpu.memref_slice %arg3[%mul3A_2] : memref<4096xi32, #tpu.memory_space<hbm>> -> memref<128xi32, #tpu.memory_space<hbm>>
      tpu.enqueue_dma source(%dma_start3A_109 : memref<128xi32, #tpu.memory_space<hbm>>) target(%arg5 : memref<128xi32, #tpu.memory_space<vmem>>) target_semaphore(%run_scoped3A : memref<!tpu.dma_semaphore, #tpu.memory_space<semaphore_mem>>)
      %dma_wait3A_110 = tpu.memref_slice %arg3[%mul3A_2] : memref<4096xi32, #tpu.memory_space<hbm>> -> memref<128xi32, #tpu.memory_space<hbm>>
      %dma_wait3A_111 = tpu.memref_slice %arg3[%mul3A_2] : memref<4096xi32, #tpu.memory_space<hbm>> -> memref<128xi32, #tpu.memory_space<hbm>>
      tpu.wait_dma2 semaphore(%run_scoped3A : memref<!tpu.dma_semaphore, #tpu.memory_space<semaphore_mem>>) src(%dma_wait3A_111 : memref<128xi32, #tpu.memory_space<hbm>>) dst(%arg5 : memref<128xi32, #tpu.memory_space<vmem>>)
      tpu.yield
    }) : () -> ()
    %get3A = arith.constant 0 : index
    %get3A_3 = tpu.vector_load %arg5[%get3A] {strides = array<i32>} : memref<128xi32, #tpu.memory_space<vmem>>, vector<16xi32>,
    %add3A_4 = arith.constant 0 : i32
    %add3A_5 = arith.addi %mul3A_2, %add3A_4 : i32
    %iota3A = tpu.iota {dimensions = array<i32: 0>} : vector<16xi32>
    %add3A_6 = vector.broadcast %add3A_5 : i32 to vector<16xi32>
    %add3A_7 = arith.addi %add3A_6, %iota3A : vector<16xi32>
    %mul3A_8 = arith.constant 100 : i32
    %mul3A_9 = vector.broadcast %mul3A_8 : i32 to vector<16xi32>
    %mul3A_10 = arith.muli %add3A_7, %mul3A_9 : vector<16xi32>
    %add3A_11 = arith.addi %mul3A_10, %get3A_3 : vector<16xi32>
    %swap3A = arith.constant 0 : index
    %swap3A_12 = tpu.vector_load %arg6[%swap3A] {strides = array<i32>} : memref<128xi32, #tpu.memory_space<vmem>>, vector<16xi32>,
    tpu.vector_store %arg6[%swap3A], %add3A_11 {strides = array<i32>} : memref<128xi32, #tpu.memory_space<vmem>>, vector<16xi32>,
    %get3A_13 = arith.constant 16 : index
    %get3A_14 = tpu.vector_load %arg5[%get3A_13] {strides = array<i32>} : memref<128xi32, #tpu.memory_space<vmem>>, vector<16xi32>,
    %add3A_15 = arith.constant 16 : i32
    %add3A_16 = arith.addi %mul3A_2, %add3A_15 : i32
    %iota3A_17 = tpu.iota {dimensions = array<i32: 0>} : vector<16xi32>
    %add3A_18 = vector.broadcast %add3A_16 : i32 to vector<16xi32>
    %add3A_19 = arith.addi %add3A_18, %iota3A_17 : vector<16xi32>
    %mul3A_20 = arith.constant 100 : i32
    %mul3A_21 = vector.broadcast %mul3A_20 : i32 to vector<16xi32>
    %mul3A_22 = arith.muli %add3A_19, %mul3A_21 : vector<16xi32>
    %add3A_23 = arith.addi %mul3A_22, %get3A_14 : vector<16xi32>
    %swap3A_24 = arith.constant 16 : index
    %swap3A_25 = tpu.vector_load %arg6[%swap3A_24] {strides = array<i32>} : memref<128xi32, #tpu.memory_space<vmem>>, vector<16xi32>,
    tpu.vector_store %arg6[%swap3A_24], %add3A_23 {strides = array<i32>} : memref<128xi32, #tpu.memory_space<vmem>>, vector<16xi32>,
    %get3A_26 = arith.constant 32 : index
    %get3A_27 = tpu.vector_load %arg5[%get3A_26] {strides = array<i32>} : memref<128xi32, #tpu.memory_space<vmem>>, vector<16xi32>,
    %add3A_28 = arith.constant 32 : i32
    %add3A_29 = arith.addi %mul3A_2, %add3A_28 : i32
    %iota3A_30 = tpu.iota {dimensions = array<i32: 0>} : vector<16xi32>
    %add3A_31 = vector.broadcast %add3A_29 : i32 to vector<16xi32>
    %add3A_32 = arith.addi %add3A_31, %iota3A_30 : vector<16xi32>
    %mul3A_33 = arith.constant 100 : i32
    %mul3A_34 = vector.broadcast %mul3A_33 : i32 to vector<16xi32>
    %mul3A_35 = arith.muli %add3A_32, %mul3A_34 : vector<16xi32>
    %add3A_36 = arith.addi %mul3A_35, %get3A_27 : vector<16xi32>
    %swap3A_37 = arith.constant 32 : index
    %swap3A_38 = tpu.vector_load %arg6[%swap3A_37] {strides = array<i32>} : memref<128xi32, #tpu.memory_space<vmem>>, vector<16xi32>,
    tpu.vector_store %arg6[%swap3A_37], %add3A_36 {strides = array<i32>} : memref<128xi32, #tpu.memory_space<vmem>>, vector<16xi32>,
    %get3A_39 = arith.constant 48 : index
    %get3A_40 = tpu.vector_load %arg5[%get3A_39] {strides = array<i32>} : memref<128xi32, #tpu.memory_space<vmem>>, vector<16xi32>,
    %add3A_41 = arith.constant 48 : i32
    %add3A_42 = arith.addi %mul3A_2, %add3A_41 : i32
    %iota3A_43 = tpu.iota {dimensions = array<i32: 0>} : vector<16xi32>
    %add3A_44 = vector.broadcast %add3A_42 : i32 to vector<16xi32>
    %add3A_45 = arith.addi %add3A_44, %iota3A_43 : vector<16xi32>
    %mul3A_46 = arith.constant 100 : i32
    %mul3A_47 = vector.broadcast %mul3A_46 : i32 to vector<16xi32>
    %mul3A_48 = arith.muli %add3A_45, %mul3A_47 : vector<16xi32>
    %add3A_49 = arith.addi %mul3A_48, %get3A_40 : vector<16xi32>
    %swap3A_50 = arith.constant 48 : index
    %swap3A_51 = tpu.vector_load %arg6[%swap3A_50] {strides = array<i32>} : memref<128xi32, #tpu.memory_space<vmem>>, vector<16xi32>,
    tpu.vector_store %arg6[%swap3A_50], %add3A_49 {strides = array<i32>} : memref<128xi32, #tpu.memory_space<vmem>>, vector<16xi32>,
    %get3A_52 = arith.constant 64 : index
    %get3A_53 = tpu.vector_load %arg5[%get3A_52] {strides = array<i32>} : memref<128xi32, #tpu.memory_space<vmem>>, vector<16xi32>,
    %add3A_54 = arith.constant 64 : i32
    %add3A_55 = arith.addi %mul3A_2, %add3A_54 : i32
    %iota3A_56 = tpu.iota {dimensions = array<i32: 0>} : vector<16xi32>
    %add3A_57 = vector.broadcast %add3A_55 : i32 to vector<16xi32>
    %add3A_58 = arith.addi %add3A_57, %iota3A_56 : vector<16xi32>
    %mul3A_59 = arith.constant 100 : i32
    %mul3A_60 = vector.broadcast %mul3A_59 : i32 to vector<16xi32>
    %mul3A_61 = arith.muli %add3A_58, %mul3A_60 : vector<16xi32>
    %add3A_62 = arith.addi %mul3A_61, %get3A_53 : vector<16xi32>
    %swap3A_63 = arith.constant 64 : index
    %swap3A_64 = tpu.vector_load %arg6[%swap3A_63] {strides = array<i32>} : memref<128xi32, #tpu.memory_space<vmem>>, vector<16xi32>,
    tpu.vector_store %arg6[%swap3A_63], %add3A_62 {strides = array<i32>} : memref<128xi32, #tpu.memory_space<vmem>>, vector<16xi32>,
    %get3A_65 = arith.constant 80 : index
    %get3A_66 = tpu.vector_load %arg5[%get3A_65] {strides = array<i32>} : memref<128xi32, #tpu.memory_space<vmem>>, vector<16xi32>,
    %add3A_67 = arith.constant 80 : i32
    %add3A_68 = arith.addi %mul3A_2, %add3A_67 : i32
    %iota3A_69 = tpu.iota {dimensions = array<i32: 0>} : vector<16xi32>
    %add3A_70 = vector.broadcast %add3A_68 : i32 to vector<16xi32>
    %add3A_71 = arith.addi %add3A_70, %iota3A_69 : vector<16xi32>
    %mul3A_72 = arith.constant 100 : i32
    %mul3A_73 = vector.broadcast %mul3A_72 : i32 to vector<16xi32>
    %mul3A_74 = arith.muli %add3A_71, %mul3A_73 : vector<16xi32>
    %add3A_75 = arith.addi %mul3A_74, %get3A_66 : vector<16xi32>
    %swap3A_76 = arith.constant 80 : index
    %swap3A_77 = tpu.vector_load %arg6[%swap3A_76] {strides = array<i32>} : memref<128xi32, #tpu.memory_space<vmem>>, vector<16xi32>,
    tpu.vector_store %arg6[%swap3A_76], %add3A_75 {strides = array<i32>} : memref<128xi32, #tpu.memory_space<vmem>>, vector<16xi32>,
    %get3A_78 = arith.constant 96 : index
    %get3A_79 = tpu.vector_load %arg5[%get3A_78] {strides = array<i32>} : memref<128xi32, #tpu.memory_space<vmem>>, vector<16xi32>,
    %add3A_80 = arith.constant 96 : i32
    %add3A_81 = arith.addi %mul3A_2, %add3A_80 : i32
    %iota3A_82 = tpu.iota {dimensions = array<i32: 0>} : vector<16xi32>
    %add3A_83 = vector.broadcast %add3A_81 : i32 to vector<16xi32>
    %add3A_84 = arith.addi %add3A_83, %iota3A_82 : vector<16xi32>
    %mul3A_85 = arith.constant 100 : i32
    %mul3A_86 = vector.broadcast %mul3A_85 : i32 to vector<16xi32>
    %mul3A_87 = arith.muli %add3A_84, %mul3A_86 : vector<16xi32>
    %add3A_88 = arith.addi %mul3A_87, %get3A_79 : vector<16xi32>
    %swap3A_89 = arith.constant 96 : index
    %swap3A_90 = tpu.vector_load %arg6[%swap3A_89] {strides = array<i32>} : memref<128xi32, #tpu.memory_space<vmem>>, vector<16xi32>,
    tpu.vector_store %arg6[%swap3A_89], %add3A_88 {strides = array<i32>} : memref<128xi32, #tpu.memory_space<vmem>>, vector<16xi32>,
    %get3A_91 = arith.constant 112 : index
    %get3A_92 = tpu.vector_load %arg5[%get3A_91] {strides = array<i32>} : memref<128xi32, #tpu.memory_space<vmem>>, vector<16xi32>,
    %add3A_93 = arith.constant 112 : i32
    %add3A_94 = arith.addi %mul3A_2, %add3A_93 : i32
    %iota3A_95 = tpu.iota {dimensions = array<i32: 0>} : vector<16xi32>
    %add3A_96 = vector.broadcast %add3A_94 : i32 to vector<16xi32>
    %add3A_97 = arith.addi %add3A_96, %iota3A_95 : vector<16xi32>
    %mul3A_98 = arith.constant 100 : i32
    %mul3A_99 = vector.broadcast %mul3A_98 : i32 to vector<16xi32>
    %mul3A_100 = arith.muli %add3A_97, %mul3A_99 : vector<16xi32>
    %add3A_101 = arith.addi %mul3A_100, %get3A_92 : vector<16xi32>
    %swap3A_102 = arith.constant 112 : index
    %swap3A_103 = tpu.vector_load %arg6[%swap3A_102] {strides = array<i32>} : memref<128xi32, #tpu.memory_space<vmem>>, vector<16xi32>,
    tpu.vector_store %arg6[%swap3A_102], %add3A_101 {strides = array<i32>} : memref<128xi32, #tpu.memory_space<vmem>>, vector<16xi32>,
    %dma_start3A = arith.constant 0 : i32
    %dma_start3A_104 = arith.constant 0 : i32
    %dma_start3A_105 = tpu.memref_slice %arg2[%dma_start3A, %dma_start3A_104] : memref<409600x16xf32, #tpu.memory_space<hbm>> -> memref<409600x16xf32, #tpu.memory_space<hbm>>
    tpu.enqueue_indirect_dma source(%dma_start3A_105 : memref<409600x16xf32, #tpu.memory_space<hbm>>) target(%arg7 : memref<128x16xf32, #tpu.memory_space<vmem>>) offsets(%arg6 : memref<128xi32, #tpu.memory_space<vmem>>) semaphore(%arg8 : memref<!tpu.dma_semaphore, #tpu.memory_space<semaphore_mem>>)
    %dma_wait3A = arith.constant 0 : i32
    %dma_wait3A_106 = arith.constant 0 : i32
    %dma_wait3A_107 = tpu.memref_slice %arg2[%dma_wait3A, %dma_wait3A_106] : memref<409600x16xf32, #tpu.memory_space<hbm>> -> memref<409600x16xf32, #tpu.memory_space<hbm>>
    tpu.wait_indirect_dma semaphore(%arg8 : memref<!tpu.dma_semaphore, #tpu.memory_space<semaphore_mem>>) src(%dma_wait3A_107 : memref<409600x16xf32, #tpu.memory_space<hbm>>) dst(%arg7 : memref<128x16xf32, #tpu.memory_space<vmem>>)
    "tpu.region"() ({
      %run_scoped3A = tpu.sem_alloc : memref<!tpu.dma_semaphore, #tpu.memory_space<semaphore_mem>>
      %dma_start3A_108 = arith.constant 0 : i32
      %dma_start3A_109 = tpu.memref_slice %arg4[%mul3A_2, %dma_start3A_108] : memref<4096x16xf32, #tpu.memory_space<hbm>> -> memref<128x16xf32, #tpu.memory_space<hbm>>
      %dma_start3A_110 = arith.constant 0 : i32
      %dma_start3A_111 = tpu.memref_slice %arg4[%mul3A_2, %dma_start3A_110] : memref<4096x16xf32, #tpu.memory_space<hbm>> -> memref<128x16xf32, #tpu.memory_space<hbm>>
      tpu.enqueue_dma source(%arg7 : memref<128x16xf32, #tpu.memory_space<vmem>>) target(%dma_start3A_111 : memref<128x16xf32, #tpu.memory_space<hbm>>) target_semaphore(%run_scoped3A : memref<!tpu.dma_semaphore, #tpu.memory_space<semaphore_mem>>)
      %dma_wait3A_112 = arith.constant 0 : i32
      %dma_wait3A_113 = tpu.memref_slice %arg4[%mul3A_2, %dma_wait3A_112] : memref<4096x16xf32, #tpu.memory_space<hbm>> -> memref<128x16xf32, #tpu.memory_space<hbm>>
      %dma_wait3A_114 = arith.constant 0 : i32
      %dma_wait3A_115 = tpu.memref_slice %arg4[%mul3A_2, %dma_wait3A_114] : memref<4096x16xf32, #tpu.memory_space<hbm>> -> memref<128x16xf32, #tpu.memory_space<hbm>>
      tpu.wait_dma2 semaphore(%run_scoped3A : memref<!tpu.dma_semaphore, #tpu.memory_space<semaphore_mem>>) src(%arg7 : memref<128x16xf32, #tpu.memory_space<vmem>>) dst(%dma_wait3A_115 : memref<128x16xf32, #tpu.memory_space<hbm>>)
      tpu.yield
    }) : () -> ()
    return
  }
}

module attributes {stable_mosaic.version = 14 : i64} {
  func.func @_dense_body(%arg0: i32, %arg1: memref<128x100x100xf32, #tpu.memory_space<vmem>>, %arg2: memref<128x1xi32, #tpu.memory_space<vmem>>, %arg3: memref<128x16xf32, #tpu.memory_space<vmem>>, %arg4: memref<128x32xf32, #tpu.memory_space<vmem>>, %arg5: memref<409600x16xf32, #tpu.memory_space<hbm>>, %arg6: memref<16x16xf32, #tpu.memory_space<vmem>>, %arg7: memref<1x16xf32, #tpu.memory_space<vmem>>, %arg8: memref<16x16xf32, #tpu.memory_space<vmem>>, %arg9: memref<16x16xf32, #tpu.memory_space<vmem>>, %arg10: memref<48x64xf32, #tpu.memory_space<vmem>>, %arg11: memref<1x64xf32, #tpu.memory_space<vmem>>, %arg12: memref<64x64xf32, #tpu.memory_space<vmem>>, %arg13: memref<1x64xf32, #tpu.memory_space<vmem>>, %arg14: memref<64x5xf32, #tpu.memory_space<vmem>>, %arg15: memref<1x5xf32, #tpu.memory_space<vmem>>, %arg16: memref<128x5xf32, #tpu.memory_space<vmem>>, %arg17: memref<12800x16xf32, #tpu.memory_space<vmem>>, %arg18: memref<!tpu.dma_semaphore, #tpu.memory_space<semaphore_mem>>) attributes {dimension_semantics = [#tpu.dimension_semantics<arbitrary>], iteration_bounds = array<i64: 32>, scalar_prefetch = 0 : i64, scratch_operands = 2 : i64, tpu.core_type = #tpu.core_type<tc>, window_params = [{transform_indices = @transform_0, window_bounds = array<i64: 128, 100, 100>}, {transform_indices = @transform_1, window_bounds = array<i64: 128, 1>}, {transform_indices = @transform_2, window_bounds = array<i64: 128, 16>}, {transform_indices = @transform_3, window_bounds = array<i64: 128, 32>}, {}, {pipeline_mode = #tpu.pipeline_mode<synchronous>, transform_indices = @transform_5, window_bounds = array<i64: 16, 16>}, {pipeline_mode = #tpu.pipeline_mode<synchronous>, transform_indices = @transform_6, window_bounds = array<i64: 1, 16>}, {pipeline_mode = #tpu.pipeline_mode<synchronous>, transform_indices = @transform_7, window_bounds = array<i64: 16, 16>}, {pipeline_mode = #tpu.pipeline_mode<synchronous>, transform_indices = @transform_8, window_bounds = array<i64: 16, 16>}, {pipeline_mode = #tpu.pipeline_mode<synchronous>, transform_indices = @transform_9, window_bounds = array<i64: 48, 64>}, {pipeline_mode = #tpu.pipeline_mode<synchronous>, transform_indices = @transform_10, window_bounds = array<i64: 1, 64>}, {pipeline_mode = #tpu.pipeline_mode<synchronous>, transform_indices = @transform_11, window_bounds = array<i64: 64, 64>}, {pipeline_mode = #tpu.pipeline_mode<synchronous>, transform_indices = @transform_12, window_bounds = array<i64: 1, 64>}, {pipeline_mode = #tpu.pipeline_mode<synchronous>, transform_indices = @transform_13, window_bounds = array<i64: 64, 5>}, {pipeline_mode = #tpu.pipeline_mode<synchronous>, transform_indices = @transform_14, window_bounds = array<i64: 1, 5>}, {transform_indices = @transform_15, window_bounds = array<i64: 128, 5>}]} {
    %mul3A = arith.constant 12800 : i32
    %mul3A_0 = arith.muli %arg0, %mul3A : i32
    %dma_start3A = arith.constant 0 : i32
    %dma_start3A_1 = tpu.memref_slice %arg5[%mul3A_0, %dma_start3A] : memref<409600x16xf32, #tpu.memory_space<hbm>> -> memref<12800x16xf32, #tpu.memory_space<hbm>>
    tpu.enqueue_dma source(%dma_start3A_1 : memref<12800x16xf32, #tpu.memory_space<hbm>>) target(%arg17 : memref<12800x16xf32, #tpu.memory_space<vmem>>) target_semaphore(%arg18 : memref<!tpu.dma_semaphore, #tpu.memory_space<semaphore_mem>>)
    %mul3A_2 = arith.constant 12800 : i32
    %mul3A_3 = arith.muli %arg0, %mul3A_2 : i32
    %dma_wait3A = arith.constant 0 : i32
    %dma_wait3A_4 = tpu.memref_slice %arg5[%mul3A_3, %dma_wait3A] : memref<409600x16xf32, #tpu.memory_space<hbm>> -> memref<12800x16xf32, #tpu.memory_space<hbm>>
    tpu.wait_dma2 semaphore(%arg18 : memref<!tpu.dma_semaphore, #tpu.memory_space<semaphore_mem>>) src(%dma_wait3A_4 : memref<12800x16xf32, #tpu.memory_space<hbm>>) dst(%arg17 : memref<12800x16xf32, #tpu.memory_space<vmem>>)
    %get3A = arith.constant 0 : index
    %get3A_5 = arith.constant 0 : index
    %get3A_6 = vector.load %arg17[%get3A, %get3A_5] : memref<12800x16xf32, #tpu.memory_space<vmem>>, vector<12800x16xf32>
    %get3A_7 = arith.constant 0 : index
    %get3A_8 = arith.constant 0 : index
    %get3A_9 = vector.load %arg6[%get3A_7, %get3A_8] : memref<16x16xf32, #tpu.memory_space<vmem>>, vector<16x16xf32>
    %get3A_10 = arith.constant 0 : index
    %get3A_11 = arith.constant 0 : index
    %get3A_12 = vector.load %arg7[%get3A_10, %get3A_11] : memref<1x16xf32, #tpu.memory_space<vmem>>, vector<1x16xf32>
    %dot_general3A = arith.constant dense<0.000000e+00> : vector<12800x16xf32>
    %dot_general3A_13 = tpu.matmul %get3A_6, %get3A_9, %dot_general3A {dimension_numbers = #tpu.dot_dimension_numbers<[1], [0], [0], [1], [0, 0, 1, 1], [], []>, transpose_lhs_hint = false} : vector<12800x16xf32>, vector<16x16xf32>, vector<12800x16xf32> -> vector<12800x16xf32>
    %add3A = vector.broadcast %get3A_12 : vector<1x16xf32> to vector<12800x16xf32>
    %add3A_14 = arith.addf %dot_general3A_13, %add3A : vector<12800x16xf32>
    %max3A = arith.constant 0.000000e+00 : f32
    %max3A_15 = vector.broadcast %max3A : f32 to vector<12800x16xf32>
    %max3A_16 = arith.maximumf %add3A_14, %max3A_15 : vector<12800x16xf32>
    %get3A_17 = arith.constant 0 : index
    %get3A_18 = arith.constant 0 : index
    %get3A_19 = vector.load %arg8[%get3A_17, %get3A_18] : memref<16x16xf32, #tpu.memory_space<vmem>>, vector<16x16xf32>
    %dot_general3A_20 = arith.constant dense<0.000000e+00> : vector<12800x16xf32>
    %dot_general3A_21 = tpu.matmul %max3A_16, %get3A_19, %dot_general3A_20 {dimension_numbers = #tpu.dot_dimension_numbers<[1], [0], [0], [1], [0, 0, 1, 1], [], []>, transpose_lhs_hint = false} : vector<12800x16xf32>, vector<16x16xf32>, vector<12800x16xf32> -> vector<12800x16xf32>
    %max3A_22 = arith.constant 0.000000e+00 : f32
    %max3A_23 = vector.broadcast %max3A_22 : f32 to vector<12800x16xf32>
    %max3A_24 = arith.maximumf %dot_general3A_21, %max3A_23 : vector<12800x16xf32>
    %reshape3A = vector.shape_cast %max3A_24 : vector<12800x16xf32> to vector<128x100x16xf32>
    %get3A_25 = arith.constant 0 : index
    %get3A_26 = arith.constant 0 : index
    %get3A_27 = vector.load %arg2[%get3A_25, %get3A_26] : memref<128x1xi32, #tpu.memory_space<vmem>>, vector<128x1xi32>
    %iota3A = tpu.iota {dimensions = array<i32: 1>} : vector<128x100xi32>
    %eq3A = vector.broadcast %get3A_27 : vector<128x1xi32> to vector<128x100xi32>
    %eq3A_28 = arith.cmpi eq, %iota3A, %eq3A : vector<128x100xi32>
    %jit3A = arith.constant 1.000000e+00 : f32
    %jit3A_29 = arith.constant 0.000000e+00 : f32
    %broadcast_in_dim3A = vector.broadcast %jit3A : f32 to vector<128x100xf32>
    %broadcast_in_dim3A_30 = vector.broadcast %jit3A_29 : f32 to vector<128x100xf32>
    %select_n3A = arith.select %eq3A_28, %broadcast_in_dim3A, %broadcast_in_dim3A_30 : vector<128x100xi1>, vector<128x100xf32>
    %get3A_31 = arith.constant 0 : index
    %get3A_32 = arith.constant 0 : index
    %get3A_33 = arith.constant 0 : index
    %get3A_34 = vector.load %arg1[%get3A_31, %get3A_32, %get3A_33] : memref<128x100x100xf32, #tpu.memory_space<vmem>>, vector<128x100x100xf32>
    %broadcast_in_dim3A_35 = vector.shape_cast %select_n3A : vector<128x100xf32> to vector<128x100x1xf32>
    %mul3A_36 = vector.broadcast %broadcast_in_dim3A_35 : vector<128x100x1xf32> to vector<128x100x100xf32>
    %mul3A_37 = arith.mulf %get3A_34, %mul3A_36 : vector<128x100x100xf32>
    %reduce_sum3A = arith.constant dense<0.000000e+00> : vector<128x100xf32>
    %reduce_sum3A_38 = vector.multi_reduction <add>, %mul3A_37, %reduce_sum3A [1] : vector<128x100x100xf32> to vector<128x100xf32>
    %gt3A = arith.constant 0.000000e+00 : f32
    %gt3A_39 = vector.broadcast %gt3A : f32 to vector<128x100xf32>
    %gt3A_40 = arith.cmpf ogt, %reduce_sum3A_38, %gt3A_39 : vector<128x100xf32>
    %jit3A_41 = arith.constant 0.000000e+00 : f32
    %broadcast_in_dim3A_42 = vector.broadcast %jit3A_41 : f32 to vector<128x100xf32>
    %select_n3A_43 = arith.select %gt3A_40, %reduce_sum3A_38, %broadcast_in_dim3A_42 : vector<128x100xi1>, vector<128x100xf32>
    %broadcast_in_dim3A_44 = vector.shape_cast %select_n3A_43 : vector<128x100xf32> to vector<128x100x1xf32>
    %mul3A_45 = vector.broadcast %broadcast_in_dim3A_44 : vector<128x100x1xf32> to vector<128x100x16xf32>
    %mul3A_46 = arith.mulf %reshape3A, %mul3A_45 : vector<128x100x16xf32>
    %reduce_sum3A_47 = arith.constant dense<0.000000e+00> : vector<128x16xf32>
    %reduce_sum3A_48 = vector.multi_reduction <add>, %mul3A_46, %reduce_sum3A_47 [1] : vector<128x100x16xf32> to vector<128x16xf32>
    %get3A_49 = arith.constant 0 : index
    %get3A_50 = arith.constant 0 : index
    %get3A_51 = vector.load %arg3[%get3A_49, %get3A_50] : memref<128x16xf32, #tpu.memory_space<vmem>>, vector<128x16xf32>
    %dot_general3A_52 = arith.constant dense<0.000000e+00> : vector<128x16xf32>
    %dot_general3A_53 = tpu.matmul %get3A_51, %get3A_9, %dot_general3A_52 {dimension_numbers = #tpu.dot_dimension_numbers<[1], [0], [0], [1], [0, 0, 1, 1], [], []>, transpose_lhs_hint = false} : vector<128x16xf32>, vector<16x16xf32>, vector<128x16xf32> -> vector<128x16xf32>
    %add3A_54 = vector.broadcast %get3A_12 : vector<1x16xf32> to vector<128x16xf32>
    %add3A_55 = arith.addf %dot_general3A_53, %add3A_54 : vector<128x16xf32>
    %max3A_56 = arith.constant 0.000000e+00 : f32
    %max3A_57 = vector.broadcast %max3A_56 : f32 to vector<128x16xf32>
    %max3A_58 = arith.maximumf %add3A_55, %max3A_57 : vector<128x16xf32>
    %get3A_59 = arith.constant 0 : index
    %get3A_60 = arith.constant 0 : index
    %get3A_61 = vector.load %arg9[%get3A_59, %get3A_60] : memref<16x16xf32, #tpu.memory_space<vmem>>, vector<16x16xf32>
    %dot_general3A_62 = arith.constant dense<0.000000e+00> : vector<128x16xf32>
    %dot_general3A_63 = tpu.matmul %reduce_sum3A_48, %get3A_61, %dot_general3A_62 {dimension_numbers = #tpu.dot_dimension_numbers<[1], [0], [0], [1], [0, 0, 1, 1], [], []>, transpose_lhs_hint = false} : vector<128x16xf32>, vector<16x16xf32>, vector<128x16xf32> -> vector<128x16xf32>
    %add3A_64 = arith.addf %max3A_58, %dot_general3A_63 : vector<128x16xf32>
    %max3A_65 = arith.constant 0.000000e+00 : f32
    %max3A_66 = vector.broadcast %max3A_65 : f32 to vector<128x16xf32>
    %max3A_67 = arith.maximumf %add3A_64, %max3A_66 : vector<128x16xf32>
    %get3A_68 = arith.constant 0 : index
    %get3A_69 = arith.constant 0 : index
    %get3A_70 = vector.load %arg4[%get3A_68, %get3A_69] : memref<128x32xf32, #tpu.memory_space<vmem>>, vector<128x32xf32>
    %concatenate3A = tpu.concatenate %get3A_70, %max3A_67 in 1 : vector<128x32xf32>, vector<128x16xf32> -> vector<128x48xf32>
    %get3A_71 = arith.constant 0 : index
    %get3A_72 = arith.constant 0 : index
    %get3A_73 = vector.load %arg10[%get3A_71, %get3A_72] : memref<48x64xf32, #tpu.memory_space<vmem>>, vector<48x64xf32>
    %dot_general3A_74 = arith.constant dense<0.000000e+00> : vector<128x64xf32>
    %dot_general3A_75 = tpu.matmul %concatenate3A, %get3A_73, %dot_general3A_74 {dimension_numbers = #tpu.dot_dimension_numbers<[1], [0], [0], [1], [0, 0, 1, 1], [], []>, transpose_lhs_hint = false} : vector<128x48xf32>, vector<48x64xf32>, vector<128x64xf32> -> vector<128x64xf32>
    %get3A_76 = arith.constant 0 : index
    %get3A_77 = arith.constant 0 : index
    %get3A_78 = vector.load %arg11[%get3A_76, %get3A_77] : memref<1x64xf32, #tpu.memory_space<vmem>>, vector<1x64xf32>
    %add3A_79 = vector.broadcast %get3A_78 : vector<1x64xf32> to vector<128x64xf32>
    %add3A_80 = arith.addf %dot_general3A_75, %add3A_79 : vector<128x64xf32>
    %max3A_81 = arith.constant 0.000000e+00 : f32
    %max3A_82 = vector.broadcast %max3A_81 : f32 to vector<128x64xf32>
    %max3A_83 = arith.maximumf %add3A_80, %max3A_82 : vector<128x64xf32>
    %get3A_84 = arith.constant 0 : index
    %get3A_85 = arith.constant 0 : index
    %get3A_86 = vector.load %arg12[%get3A_84, %get3A_85] : memref<64x64xf32, #tpu.memory_space<vmem>>, vector<64x64xf32>
    %dot_general3A_87 = arith.constant dense<0.000000e+00> : vector<128x64xf32>
    %dot_general3A_88 = tpu.matmul %max3A_83, %get3A_86, %dot_general3A_87 {dimension_numbers = #tpu.dot_dimension_numbers<[1], [0], [0], [1], [0, 0, 1, 1], [], []>, transpose_lhs_hint = false} : vector<128x64xf32>, vector<64x64xf32>, vector<128x64xf32> -> vector<128x64xf32>
    %get3A_89 = arith.constant 0 : index
    %get3A_90 = arith.constant 0 : index
    %get3A_91 = vector.load %arg13[%get3A_89, %get3A_90] : memref<1x64xf32, #tpu.memory_space<vmem>>, vector<1x64xf32>
    %add3A_92 = vector.broadcast %get3A_91 : vector<1x64xf32> to vector<128x64xf32>
    %add3A_93 = arith.addf %dot_general3A_88, %add3A_92 : vector<128x64xf32>
    %max3A_94 = arith.constant 0.000000e+00 : f32
    %max3A_95 = vector.broadcast %max3A_94 : f32 to vector<128x64xf32>
    %max3A_96 = arith.maximumf %add3A_93, %max3A_95 : vector<128x64xf32>
    %get3A_97 = arith.constant 0 : index
    %get3A_98 = arith.constant 0 : index
    %get3A_99 = vector.load %arg14[%get3A_97, %get3A_98] : memref<64x5xf32, #tpu.memory_space<vmem>>, vector<64x5xf32>
    %dot_general3A_100 = arith.constant dense<0.000000e+00> : vector<128x5xf32>
    %dot_general3A_101 = tpu.matmul %max3A_96, %get3A_99, %dot_general3A_100 {dimension_numbers = #tpu.dot_dimension_numbers<[1], [0], [0], [1], [0, 0, 1, 1], [], []>, transpose_lhs_hint = false} : vector<128x64xf32>, vector<64x5xf32>, vector<128x5xf32> -> vector<128x5xf32>
    %get3A_102 = arith.constant 0 : index
    %get3A_103 = arith.constant 0 : index
    %get3A_104 = vector.load %arg15[%get3A_102, %get3A_103] : memref<1x5xf32, #tpu.memory_space<vmem>>, vector<1x5xf32>
    %add3A_105 = vector.broadcast %get3A_104 : vector<1x5xf32> to vector<128x5xf32>
    %add3A_106 = arith.addf %dot_general3A_101, %add3A_105 : vector<128x5xf32>
    %swap3A = arith.constant 0 : index
    %swap3A_107 = arith.constant 0 : index
    %swap3A_108 = vector.load %arg16[%swap3A, %swap3A_107] : memref<128x5xf32, #tpu.memory_space<vmem>>, vector<128x5xf32>
    tpu.vector_store %arg16[%swap3A, %swap3A_107], %add3A_106 {strides = array<i32>} : memref<128x5xf32, #tpu.memory_space<vmem>>, vector<128x5xf32>,
    return
  }
  func.func @transform_0(%arg0: i32) -> (i32, i32, i32) {
    %c0_i32 = arith.constant 0 : i32
    %c0_i32_0 = arith.constant 0 : i32
    %c0_i32_1 = arith.constant 0 : i32
    return %arg0, %c0_i32, %c0_i32_0 : i32, i32, i32
  }
  func.func @transform_1(%arg0: i32) -> (i32, i32) {
    %c0_i32 = arith.constant 0 : i32
    %c0_i32_0 = arith.constant 0 : i32
    return %arg0, %c0_i32 : i32, i32
  }
  func.func @transform_2(%arg0: i32) -> (i32, i32) {
    %c0_i32 = arith.constant 0 : i32
    %c0_i32_0 = arith.constant 0 : i32
    return %arg0, %c0_i32 : i32, i32
  }
  func.func @transform_3(%arg0: i32) -> (i32, i32) {
    %c0_i32 = arith.constant 0 : i32
    %c0_i32_0 = arith.constant 0 : i32
    return %arg0, %c0_i32 : i32, i32
  }
  func.func @transform_5(%arg0: i32) -> (i32, i32) {
    %c0_i32 = arith.constant 0 : i32
    %c0_i32_0 = arith.constant 0 : i32
    %c0_i32_1 = arith.constant 0 : i32
    return %c0_i32, %c0_i32_0 : i32, i32
  }
  func.func @transform_6(%arg0: i32) -> (i32, i32) {
    %c0_i32 = arith.constant 0 : i32
    %c0_i32_0 = arith.constant 0 : i32
    %c0_i32_1 = arith.constant 0 : i32
    return %c0_i32, %c0_i32_0 : i32, i32
  }
  func.func @transform_7(%arg0: i32) -> (i32, i32) {
    %c0_i32 = arith.constant 0 : i32
    %c0_i32_0 = arith.constant 0 : i32
    %c0_i32_1 = arith.constant 0 : i32
    return %c0_i32, %c0_i32_0 : i32, i32
  }
  func.func @transform_8(%arg0: i32) -> (i32, i32) {
    %c0_i32 = arith.constant 0 : i32
    %c0_i32_0 = arith.constant 0 : i32
    %c0_i32_1 = arith.constant 0 : i32
    return %c0_i32, %c0_i32_0 : i32, i32
  }
  func.func @transform_9(%arg0: i32) -> (i32, i32) {
    %c0_i32 = arith.constant 0 : i32
    %c0_i32_0 = arith.constant 0 : i32
    %c0_i32_1 = arith.constant 0 : i32
    return %c0_i32, %c0_i32_0 : i32, i32
  }
  func.func @transform_10(%arg0: i32) -> (i32, i32) {
    %c0_i32 = arith.constant 0 : i32
    %c0_i32_0 = arith.constant 0 : i32
    %c0_i32_1 = arith.constant 0 : i32
    return %c0_i32, %c0_i32_0 : i32, i32
  }
  func.func @transform_11(%arg0: i32) -> (i32, i32) {
    %c0_i32 = arith.constant 0 : i32
    %c0_i32_0 = arith.constant 0 : i32
    %c0_i32_1 = arith.constant 0 : i32
    return %c0_i32, %c0_i32_0 : i32, i32
  }
  func.func @transform_12(%arg0: i32) -> (i32, i32) {
    %c0_i32 = arith.constant 0 : i32
    %c0_i32_0 = arith.constant 0 : i32
    %c0_i32_1 = arith.constant 0 : i32
    return %c0_i32, %c0_i32_0 : i32, i32
  }
  func.func @transform_13(%arg0: i32) -> (i32, i32) {
    %c0_i32 = arith.constant 0 : i32
    %c0_i32_0 = arith.constant 0 : i32
    %c0_i32_1 = arith.constant 0 : i32
    return %c0_i32, %c0_i32_0 : i32, i32
  }
  func.func @transform_14(%arg0: i32) -> (i32, i32) {
    %c0_i32 = arith.constant 0 : i32
    %c0_i32_0 = arith.constant 0 : i32
    %c0_i32_1 = arith.constant 0 : i32
    return %c0_i32, %c0_i32_0 : i32, i32
  }
  func.func @transform_15(%arg0: i32) -> (i32, i32) {
    %c0_i32 = arith.constant 0 : i32
    %c0_i32_0 = arith.constant 0 : i32
    return %arg0, %c0_i32 : i32, i32
  }
}

</mosaic_0001>

<sc_bundles>
// kernel: sc_node_row_gather.3.cloned.1.call-start
scs
__scs_entry_jumppad:
0x0: {  	(pc) =	sbr.rel $0x88, $3  }
0x1: {  	(tag) =	ssettag $0x0;
	lr =	simm.s32 $0x1  }
0x2: {  	[smem:$0x3F92] =	sst lr;
	_ =	strace $0xD0000000  }
0x3: {  	_ = 	snop  }
0x4: {  	_ = 	snop  }
0x5: {  	_ = 	snop  }
0x6: {  	_ = 	snop  }
0x7: {  	_ = 	snop  }
__scs_overlays_trampoline_lowered:
0x8: {  	[smem:$0x3FA1] =	sst s0  }
0x9: {  	[smem:$0x3FA2] =	sst s1  }
0xa: {  	[smem:$0x3FA3] =	sst s2  }
0xb: {  	[smem:$0x3FA4] =	sst s3  }
0xc: {  	[smem:$0x3FA5] =	sst s4  }
0xd: {  	[smem:$0x3FA6] =	sst s5  }
0xe: {  	[smem:$0x3FA7] =	sst s6  }
0xf: {  	[smem:$0x3FA8] =	sst s7  }
0x10: {  	[smem:$0x3FA9] =	sst s8  }
0x11: {  	[smem:$0x3FAA] =	sst s9;
	s0 =	simm.s32 @!p0 $0x0  }
0x12: {  	s1 =	sld [smem:$0x3F90];
	s0 =	simm.s32 @p0 $0x1  }
0x13: {  	[smem:$0x3FAB] =	sst s0;
	s0 =	simm.s32 @!p1 $0x0  }
0x14: {  	s2 =	sld [smem:$0x3F8F];
	s0 =	simm.s32 @p1 $0x1  }
0x15: {  	[smem:$0x3FAC] =	sst s0;
	s0 =	simm.s32 @!p2 $0x0  }
0x16: {  	s3 =	sld [smem:$0x3FDB];
	s0 =	simm.s32 @p2 $0x1  }
0x17: {  	s4 =	simm.s32 $0x1BF5;
	[smem:$0x3FAE] =	sst s0  }
0x18: {  	s0 =	sld [smem:$0x3F91];
	_ =	swait.ge [sflag:s4], $0x0  }
0x19: {  	s7 =	sld [smem:$0x3F92]  }
0x1a: {  	s8 =	sadd.s32 $0xFFFFE003, lr  }
0x1b: {  	s9 =	sadd.s32 $0xFFFFFEF7, lr;
	s5 =	simm.s32 $0xFFFFFFFF;
	p2 =	slt.u32 s8, $0xFFFFF086  }
0x1c: {  	p1 =	slt.u32 s9, $0xF7A;
	s5 =	simm.s32 @!p2 $0x0  }
0x1d: {  	s5 =	simm.s32 @p1 $0x1;
	p0 =	seq.s32 s7, s2  }
0x1e: {  	s7 =	smul.u32 @!p0 $0xF7A, s2;
	p2 =	seq.s32 @!p0 s5, $0x0  }
0x1f: {  	s9 =	smul.u32 $0xF7A, s1;
	s8 =	simm.s32 @!p0 $0x1BF5;
	p2 =	por !p2, p0  }
0x20: {  	[sflag:s8] =	ssyncset.s32 @!p0 $0xFFFFF086;
	s6 =	sadd.s32 @!p0 s3, s7;
	s7 =	simm.s32 @!p0 $0x108  }
0x21: {  	s3 =	sadd.s32 s3, s9;
	s6 =	sadd.s32 @!p0 $0x88, s6;
	s7 =	simm.s32 @p2 $0x1082  }
0x22: {  	[simem:s7], [sflag:s8] =	dma.local @!p0 [hbm:s6], $0xF7A  }
0x23: {  	s9 =	sor.u32 $0xD0000000, s2;
	s6 =	simm.s32 $0x108;
	_ =	swait.ge @!p0 [sflag:s8], $0x0  }
0x24: {  	s3 =	sadd.s32 $0x88, s3;
	s6 =	simm.s32 @!p1 $0x1082;
	[sflag:s4] =	ssyncset.s32 $0xFFFFF086  }
0x25: {  	[simem:s6], [sflag:s4] =	dma.local [hbm:s3], $0xF7A  }
0x26: {  	[smem:$0x3F92] =	sst s1;
	(tag) =	ssettag s2;
	_ =	strace s9  }
0x27: {  	s1 =	sld [smem:$0x3FA2]  }
0x28: {  	s2 =	sld [smem:$0x3FA3]  }
0x29: {  	s4 =	sld [smem:$0x3FA5]  }
0x2a: {  	p0 =	seq.s32 s5, $0x0;
	s5 =	sld [smem:$0x3FA6]  }
0x2b: {  	s6 =	sld [smem:$0x3FA7]  }
0x2c: {  	s7 =	sld [smem:$0x3FA8]  }
0x2d: {  	s3 =	simm.s32 $0x108;
	s8 =	sld [smem:$0x3FA9]  }
0x2e: {  	s3 =	simm.s32 @!p0 $0x1082;
	s9 =	sld [smem:$0x3FAA]  }
0x2f: {  	lr =	sadd.s32 s0, s3;
	s0 =	sld [smem:$0x3FA1]  }
0x30: {  	s3 =	sld [smem:$0x3FA4]  }
0x31: {  	[smem:$0x3FAD] =	sst s10  }
0x32: {  	s10 =	sld [smem:$0x3FAB];
	_ =	sdelay $0x3  }
0x33: {  	p0 =	seq.s32 s10, $0x1;
	s10 =	sld [smem:$0x3FAD];
	_ =	sdelay $0x3  }
0x34: {  	[smem:$0x3FAD] =	sst s10  }
0x35: {  	s10 =	sld [smem:$0x3FAC];
	_ =	sdelay $0x3  }
0x36: {  	p1 =	seq.s32 s10, $0x1;
	s10 =	sld [smem:$0x3FAD];
	_ =	sdelay $0x3  }
0x37: {  	[smem:$0x3FAD] =	sst s10  }
0x38: {  	s10 =	sld [smem:$0x3FAE]  }
0x39: {  	_ = 	snop;
	(pc) =	sbr.ind lr, $3  }
0x3a: {  	_ = 	snop  }
0x3b: {  	_ = 	snop  }
0x3c: {  	p2 =	seq.s32 s10, $0x1;
	s10 =	sld [smem:$0x3FAD]  }
0x3d: {  	_ =	shalt  }
0x3e: {  	_ =	shalt  }
0x3f: {  	_ =	shalt  }
0x40: {  	_ =	shalt  }
0x41: {  	_ =	shalt  }
0x42: {  	_ =	shalt  }
0x43: {  	_ =	shalt  }
0x44: {  	_ =	shalt  }
0x45: {  	_ =	shalt  }
0x46: {  	_ =	shalt  }
0x47: {  	_ =	shalt  }
0x48: {  	_ =	shalt  }
0x49: {  	_ =	shalt  }
0x4a: {  	_ =	shalt  }
0x4b: {  	_ =	shalt  }
0x4c: {  	_ =	shalt  }
0x4d: {  	_ =	shalt  }
0x4e: {  	_ =	shalt  }
0x4f: {  	_ =	shalt  }
0x50: {  	_ =	shalt  }
0x51: {  	_ =	shalt  }
0x52: {  	_ =	shalt  }
0x53: {  	_ =	shalt  }
0x54: {  	_ =	shalt  }
0x55: {  	_ =	shalt  }
0x56: {  	_ =	shalt  }
0x57: {  	_ =	shalt  }
0x58: {  	_ =	shalt  }
0x59: {  	_ =	shalt  }
0x5a: {  	_ =	shalt  }
0x5b: {  	_ =	shalt  }
0x5c: {  	_ =	shalt  }
0x5d: {  	_ =	shalt  }
0x5e: {  	_ =	shalt  }
0x5f: {  	_ =	shalt  }
0x60: {  	_ =	shalt  }
0x61: {  	_ =	shalt  }
0x62: {  	_ =	shalt  }
0x63: {  	_ =	shalt  }
0x64: {  	_ =	shalt  }
0x65: {  	_ =	shalt  }
0x66: {  	_ =	shalt  }
0x67: {  	_ =	shalt  }
0x68: {  	_ =	shalt  }
0x69: {  	_ =	shalt  }
0x6a: {  	_ =	shalt  }
0x6b: {  	_ =	shalt  }
0x6c: {  	_ =	shalt  }
0x6d: {  	_ =	shalt  }
0x6e: {  	_ =	shalt  }
0x6f: {  	_ =	shalt  }
0x70: {  	_ =	shalt  }
0x71: {  	_ =	shalt  }
0x72: {  	_ =	shalt  }
0x73: {  	_ =	shalt  }
0x74: {  	_ =	shalt  }
0x75: {  	_ =	shalt  }
0x76: {  	_ =	shalt  }
0x77: {  	_ =	shalt  }
0x78: {  	_ =	shalt  }
0x79: {  	_ =	shalt  }
0x7a: {  	_ =	shalt  }
0x7b: {  	_ =	shalt  }
0x7c: {  	_ =	shalt  }
0x7d: {  	_ =	shalt  }
0x7e: {  	_ =	shalt  }
0x7f: {  	_ =	shalt  }
0x80: {  	_ =	shalt  }
0x81: {  	_ =	shalt  }
0x82: {  	_ =	shalt  }
0x83: {  	_ =	shalt  }
0x84: {  	_ =	shalt  }
0x85: {  	_ =	shalt  }
0x86: {  	_ =	shalt  }
0x87: {  	_ =	shalt  }
.Lfunc_end0:
.L_simem_size_0:
called_computation_lowered:
.L_overlay_start_0:
0x88: {  	s2 =	sld [smem:$0x3FD9]  }
0x89: {  	s3 =	sld [smem:$0x3FFE];
	_ =	sdelay $0x1  }
0x8a: {  	s1 =	srdreg.scid  }
0x8b: {  	s0 =	sand.u32 $0x1, s1  }
0x8c: {  	s14 =	sshll.u32 s0, $0xA;
	s2 =	sadd.s32 s3, s2  }
0x8d: {  	s2 =	sadd.s32 s2, s14  }
0x8e: {  	[smem:$0x3FB9] =	sst s2  }
0x8f: {  	_ = 	snop  }
0x90: {  	s2 =	sld [smem:$0x3FD0];
	_ =	sdelay $0x2  }
0x91: {  	s4 =	simm.s32 $0xA;
	s5 =	simm.s32 $0x10;
	s15 =	sld [smem:$0x3FC5]  }
0x92: {  	[smem:s5], [sflag:s4] =	dma.local [hbm:s2], $0x1  }
0x93: {  	_ =	swait.eq [sflag:s4], $0x1  }
0x94: {  	[sflag:s4] =	ssyncset.done $0x0  }
0x95: {  	[sflag:s4] =	ssyncadd.s32 $0xFFFFFFFF  }
0x96: {  	s16 =	sld [smem:$0x11];
	(tm) =	ssettm $0x1  }
0x97: {  	s17 =	sld [smem:$0x3FFB];
	_ =	sdelay $0x3  }
0x98: {  	_ =	strace s17  }
0x99: {  	s4 =	sld [smem:$0x3FFC];
	_ =	sdelay $0x3  }
0x9a: {  	_ =	strace s4  }
0x9b: {  	s4 =	sld [smem:$0x3FFD];
	_ =	sdelay $0x3  }
0x9c: {  	_ =	strace s4  }
0x9d: {  	_ =	strace $0x8FFFFFFF  }
0x9e: {  	s18 =	sld [smem:$0x3FDB];
	_ =	sdelay $0x1  }
0x9f: {  	s19 =	simm.s32 $_scs_section_size  }
0xa0: {  	s6 =	simm.s32 $_size__tile_overlayer_lowered;
	s7 =	simm.s32 $_tile_overlayer_lowered  }
0xa1: {  	s22 =	simm.s32 $0x1BFF;
	s21 =	sshll.u32 s7, $0x1;
	s4 =	sadd.s32 s19, s18  }
0xa2: {  	s8 =	simm.s32 $0x0;
	s20 =	sshll.u32 s6, $0x1;
	s6 =	sadd.s32 s21, s4  }
0xa3: {  	[timem:s8], [sflag:s22] =	dma.local [hbm:s6], s20  }
0xa4: {  	_ =	swait.ge [sflag:s22], s20  }
0xa5: {  	s5 =	ssub.s32 $0x0, s20;
	[sflag:s22] =	ssyncset.done $0x0  }
0xa6: {  	[sflag:s22] =	ssyncadd.s32 s5;
	_ =	sdelay $0x1  }
0xa7: {  	s23 =	simm.s32 $0x1B8B  }
0xa8: {  	_ =	swait.ge [sflag:s23], $0x1  }
0xa9: {  	[sflag:s23] =	ssyncset.done $0x0  }
0xaa: {  	s25 =	simm.s32 $0x1B8E;
	s24 =	sld [smem:$0x3FFE];
	[sflag:s23] =	ssyncadd.s32 $0xFFFFFFFF  }
0xab: {  	s26 =	simm.s32 $execute0_lowered;
	[smem:$0x3FD2] =	sst s25  }
0xac: {  	s6 =	sshll.u32 s26, $0x1;
	_ =	strace $0x80000046;
	[dreg:$0x1] =	wrdreg $0xFFFFFFFF  }
0xad: {  	s28 =	simm.s32 $_size_execute0_lowered;
	s4 =	sadd.s32 s4, s6;
	[dreg:$0x0] =	wrdreg $0x0  }
0xae: {  	s6 =	sshll.u32 s28, $0x1;
	[dreg:$0x2] =	wrdreg s4  }
0xaf: {  	[dreg:$0x3] =	wrdreg s6  }
0xb0: {  	[dreg:$0x4] =	wrdreg $0xC0  }
0xb1: {  	_ =	task [dreg:s8], $0x5FFFF  }
0xb2: {  	[dreg:$0x1] =	wrdreg $0xFFFFFFFF  }
0xb3: {  	[dreg:$0x0] =	wrdreg $0x60  }
0xb4: {  	[dreg:$0x2] =	wrdreg s24  }
0xb5: {  	[dreg:$0x3] =	wrdreg s15  }
0xb6: {  	[dreg:$0x4] =	wrdreg s16  }
0xb7: {  	[dreg:$0x5] =	wrdreg $0x9  }
0xb8: {  	_ =	task.clear_ibuf [dreg:s8], $0x6FFFF;
	_ =	strace $0x90000046  }
0xb9: {  	s29 =	simm.s32 $0x9;
	_ =	strace $0x80000048  }
0xba: {  	_ =	swait.ge [sflag:s29], $0x1  }
0xbb: {  	[sflag:s29] =	ssyncadd.s32 $0xFFFFFFFF  }
0xbc: {  	_ =	strace $0x90000048  }
0xbd: {  	_ =	sfence  }
0xbe: {  	s30 =	sld [smem:$0x0];
	_ =	sdelay $0x2  }
0xbf: {  	s31 =	sshll.u32 s1, $0xD;
	s1 =	sshrl.u32 s1, $0x2  }
0xc0: {  	s3 =	sand.u32 $0x4000, s31;
	s1 =	sadd.s32 s1, s30  }
0xc1: {  	s0 =	sor.u32 s3, s0;
	s1 =	sshll.u32 s1, $0x11  }
0xc2: {  	s0 =	sor.u32 s1, s0  }
0xc3: {  	s0 =	sadd.s32 $0x8F2B, s0  }
0xc4: {  	[sflag:s0] =	ssyncadd.remote.s32 $0x1  }
0xc5: {  	_ =	sfence.sel $0xFFFF  }
0xc6: {  	[dreg:$0x0] =	wrdreg $0xFFFFFFFF;
	(pc) =	sbr.abs _section_cstart, $3  }
0xc7: {  	[dreg:$0x1] =	wrdreg $0xFFFFFFFF  }
0xc8: {  	_ =	task.clear_ibuf [dreg:s8], $0x2FFFF;
	_ =	strace $0x9FFFFFFF  }
0xc9: {  	(tm) =	ssettm $0x7FFFFFFF  }
tec
execute0_lowered:
.L_overlay_start_1:
0x0: {  	(tag) =	ssettag $0x1  }
0x1: {  	s5 =	rddreg [dreg:$0x0];
	s1 =	srdreg.scid  }
0x2: {  	s3 =	rddreg [dreg:$0x1];
	s0 =	stileid.u32;
	s8 =	sand.u32 $0x1, s1  }
0x3: {  	s6 =	rddreg [dreg:$0x2];
	s4 =	sshll.u32 s0, $0x8;
	s7 =	sshll.u32 s8, $0x7  }
0x4: {  	s2 =	simm.s32 $0x0;
	s1 =	rddreg [dreg:$0x3];
	s7 =	sor.u32 s7, s4  }
0x5: {  	[smem:$0x7FF] =	sst s2;
	s4 =	sshrl.u32 s7, $0x3  }
0x6: {  	_ =	strace $0x80000047;
	s4 =	sadd.s32 s3, s4;
	s3 =	simm.s32 $0x2  }
0x7: {  	v0 =	vmov s7;
	[tilespmem:s2], [sflag:$0x2] =	stream.linear.gather [hbm4b:s4+s2], $0x80, $0x38;
	[tilespmem:$0x900] =	vst v63  }
0x8: {  	s9 =	sor.u32 $0x10, s7;
	s25 =	sor.u32 $0x30, s7;
	v5 =	vmul.u32 $0x64, v0;
	_ =	swait.ge [sflag:s3], $0x80  }
0x9: {  	s24 =	sor.u32 $0x70, s7;
	s28 =	sor.u32 $0x40, s7;
	v0 =	vlaneseq.u32;
	v1 =	vmov s9;
	v2 =	vmov s25;
	[sflag:s3] =	ssyncset.done $0x0  }
0xa: {  	s10 =	sor.u32 $0x20, s7;
	v9 =	vmov s28;
	v7 =	vmul.u32 $0x64, v0;
	v0 =	vmov s24;
	[sflag:s3] =	ssyncadd.s32 $0xFFFFFF80  }
0xb: {  	s26 =	sor.u32 $0x50, s7;
	v4 =	vmul.u32 $0x64, v1;
	v1 =	vmov s10;
	v0 =	vmul.u32 $0x64, v0;
	v3 =	vld [tilespmem:$0x70]  }
0xc: {  	s29 =	sor.u32 $0x60, s7;
	v6 =	vmul.u32 $0x64, v1;
	v1 =	vmul.u32 $0x64, v2;
	v2 =	vmov s26;
	v8 =	vld [tilespmem:$0x30]  }
0xd: {  	v11 =	vmov s29;
	v2 =	vmul.u32 $0x64, v2;
	v0 =	vbroadcast v0, $0x0;
	v10 =	vld [tilespmem:$0x50]  }
0xe: {  	v9 =	vmul.u32 $0x64, v9;
	v11 =	vmul.u32 $0x64, v11;
	v1 =	vbroadcast v1, $0x0;
	v13 =	vld [tilespmem:$0x60]  }
0xf: {  	s8 =	ssub.s32 $0x2, s8;
	v60 =	vbroadcast v5, $0x0;
	v2 =	vbroadcast v2, $0x0;
	v14 =	vld [tilespmem:$0x20];
	v0 =	vadd.s32 v7, v0  }
0x10: {  	s30 =	sshrl.u32 s8, $0x1;
	v11 =	vbroadcast v11, $0x0;
	v15 =	vld [tilespmem:$0x10];
	v1 =	vadd.s32 v7, v1;
	v3 =	vadd.s32 v3, v0  }
0x11: {  	s8 =	ssub.s32 s8, s30;
	v6 =	vbroadcast v6, $0x0;
	v12 =	vld [tilespmem:$0x40];
	v2 =	vadd.s32 v7, v2;
	v8 =	vadd.s32 v8, v1;
	[tilespmem:$0xF0] =	vst v3  }
0x12: {  	s31 =	smax.u32 s8, $0x1;
	v58 =	vbroadcast v4, $0x0;
	v4 =	vadd.s32 v7, v11;
	v57 =	vadd.s32 v10, v2;
	[tilespmem:$0xB0] =	vst v8;
	v8 =	vld [tilespmem:$0x0]  }
0x13: {  	p0 =	sne.s32 s31, $0x1;
	v9 =	vbroadcast v9, $0x0;
	v5 =	vadd.s32 v7, v6;
	v61 =	vadd.s32 v13, v4;
	[tilespmem:$0xD0] =	vst v57  }
.Ltmp0:
0x14: {  	v6 =	vadd.s32 v7, v58;
	v62 =	vadd.s32 v14, v5;
	[tilespmem:$0xE0] =	vst v61;
	(pc) =	sbr.rel @!p0 .LBB2_2-.Ltmp0, $4  }
0x15: {  	v63 =	vadd.s32 v15, v6;
	v3 =	vadd.s32 v7, v9;
	[tilespmem:$0xA0] =	vst v62  }
0x16: {  	s7 =	sshll.u32 s7, $0x1;
	v7 =	vadd.s32 v7, v60;
	[tilespmem:$0x90] =	vst v63;
	v59 =	vadd.s32 v12, v3  }
0x17: {  	s5 =	sadd.s32 $0x641E00, s5;
	s6 =	sadd.s32 s6, s7;
	s7 =	simm.s32 $0x80;
	[tilespmem:$0xC0] =	vst v59;
	v8 =	vadd.s32 v8, v7  }
0x18: {  	s8 =	simm.s32 $0x100;
	s9 =	simm.s32 $0x1;
	s10 =	sadd.s32 $0xFFFFFFFF, s31;
	[tilespmem:$0x80] =	vst v8  }
.LBB2_1:
0x19: {  	[tilespmem:s8], [sflag:$0x1] =	stream.indirect.gather [hbm4b:s5+s7], $0x10, s7, s7, $0xb8;
	[tilespmem:$0x900] =	vst v63  }
0x1a: {  	p0 =	sne.s32 s10, $0x1;
	s10 =	sadd.s32 $0xFFFFFFFF, s10;
	_ =	swait.ge [sflag:s9], $0x800  }
0x1b: {  	[sflag:s9] =	ssyncset.done $0x0  }
0x1c: {  	[sflag:s9] =	ssyncadd.s32 $0xFFFFF800  }
0x1d: {  	[hbm4b:s6+s2] =	stream.linear.scatter [tilespmem:s8], [sflag:$0x2], $0x800, $0x38;
	[tilespmem:$0x900] =	vst v63  }
0x1e: {  	_ =	swait.ge [sflag:s3], $0x800  }
0x1f: {  	[sflag:s3] =	ssyncset.done $0x0  }
0x20: {  	[sflag:s3] =	ssyncadd.s32 $0xFFFFF800  }
0x21: {  	[tilespmem:s2], [sflag:$0x2] =	stream.linear.gather [hbm4b:s4+s2], $0x80, $0x38;
	[tilespmem:$0x900] =	vst v63  }
0x22: {  	_ =	swait.ge [sflag:s3], $0x80  }
0x23: {  	[sflag:s3] =	ssyncset.done $0x0  }
0x24: {  	[sflag:s3] =	ssyncadd.s32 $0xFFFFFF80  }
0x25: {  	v8 =	vld [tilespmem:$0x70]  }
0x26: {  	v9 =	vld [tilespmem:$0x30]  }
0x27: {  	v10 =	vld [tilespmem:$0x50]  }
0x28: {  	v11 =	vld [tilespmem:$0x40]  }
0x29: {  	v12 =	vld [tilespmem:$0x60]  }
0x2a: {  	v13 =	vld [tilespmem:$0x20];
	v8 =	vadd.s32 v8, v0  }
0x2b: {  	v14 =	vld [tilespmem:$0x10];
	v9 =	vadd.s32 v9, v1;
	[tilespmem:$0xF0] =	vst v8  }
0x2c: {  	v8 =	vld [tilespmem:$0x0];
	[tilespmem:$0xB0] =	vst v9;
	v9 =	vadd.s32 v10, v2  }
0x2d: {  	v10 =	vadd.s32 v11, v3;
	[tilespmem:$0xD0] =	vst v9  }
.Ltmp1:
0x2e: {  	[tilespmem:$0xC0] =	vst v10;
	v9 =	vadd.s32 v12, v4;
	(pc) =	sbr.rel @p0 .LBB2_1-.Ltmp1, $4  }
0x2f: {  	v10 =	vadd.s32 v13, v5;
	[tilespmem:$0xE0] =	vst v9  }
0x30: {  	v9 =	vadd.s32 v14, v6;
	[tilespmem:$0xA0] =	vst v10  }
0x31: {  	v8 =	vadd.s32 v8, v7;
	[tilespmem:$0x90] =	vst v9  }
0x32: {  	[tilespmem:$0x80] =	vst v8  }
.LBB2_2:
0x33: {  	[tilespmem:s8], [sflag:$0x1] =	stream.indirect.gather [hbm4b:s5+s7], $0x10, s7, s7, $0xb8;
	[tilespmem:$0x900] =	vst v63  }
0x34: {  	_ =	swait.ge [sflag:s9], $0x800  }
0x35: {  	[sflag:s9] =	ssyncset.done $0x0  }
0x36: {  	[sflag:s9] =	ssyncadd.s32 $0xFFFFF800  }
0x37: {  	[hbm4b:s6+s2] =	stream.linear.scatter [tilespmem:s8], [sflag:$0x2], $0x800, $0x38;
	[tilespmem:$0x900] =	vst v63  }
0x38: {  	_ =	swait.ge [sflag:s3], $0x800  }
0x39: {  	[sflag:s3] =	ssyncset.done $0x0  }
0x3a: {  	[sflag:s3] =	ssyncadd.s32 $0xFFFFF800  }
0x3b: {  	_ =	sfence.sel $0x180000  }
0x3c: {  	[bflag:$0x0] =	sbarrier.arrive $0xFFFF  }
0x3d: {  	p0 =	sne.s32 s0, $0x0;
	_ =	strace $0x90000047  }
0x3e: {  	s0 =	sadd.s32 @!p0 $0x100000, s1;
	[bflag:$0x2] =	sbarrier.arrive $0xFFFF  }
0x3f: {  	[sflag:s0] =	ssyncadd.tile.s32 @!p0 $0x1;
	_ =	shalt  }
.Lfunc_end2:
_tile_overlayer_lowered:
.L_overlay_start_2:
0x40: {  	(tag) =	ssettag $0x2  }
0x41: {  	s0 =	rddreg [dreg:$0x0];
	s2 =	stileid.u32  }
0x42: {  	s1 =	rddreg [dreg:$0x1];
	p0 =	sne.s32 s2, $0x0  }
0x43: {  	s3 =	rddreg [dreg:$0x2];
	[bflag:$0x3] =	sbarrier.arrive $0xFFFF;
	s2 =	simm.s32 @!p0 $0x1C02  }
0x44: {  	[timem:s3], [sflag:s2] =	dma.local @!p0 [hbm:s0], s1  }
0x45: {  	s0 =	simm.s32 @!p0 $0x2  }
0x46: {  	_ =	swait.ge @!p0 [sflag:s0], s1  }
0x47: {  	s1 =	ssub.s32 @!p0 $0x0, s1;
	[sflag:s0] =	ssyncset.done @!p0 $0x0  }
0x48: {  	[sflag:s0] =	ssyncadd.s32 @!p0 s1  }
0x49: {  	[bflag:$0x3] =	sbarrier.arrive $0xFFFF  }
0x4a: {  	_ =	shalt  }

</sc_bundles>
